<compile_context>
chip_gen: v7x
topology: tpu7x:2x2x1
jax: 0.10.2.dev20260603
libtpu: 0.0.44.dev20260713+nightly
codegen_flags: <defaults>
</compile_context>

<pallas_src>
import jax
import jax.numpy as jnp
from jax import lax
from jax.experimental import pallas as pl
from jax.experimental.pallas import tpu as pltpu
from jax.experimental.pallas import tpu_sc as plsc

N_ROWS = 4096
N_COLS = 1000
STRIDE = 5
N_OUT = N_COLS // STRIDE

_NC = 2
_NS = 16
_NW = _NC * _NS

_ROWS_PER_W = N_ROWS // _NW
_RCHUNK = 64
_NCHUNK = _ROWS_PER_W // _RCHUNK
_NFULL = N_OUT // 16
_NTAIL = N_OUT - _NFULL * 16


def _body(x_hbm, out_hbm, in_v, out_v):
    wid = lax.axis_index("s") * _NC + lax.axis_index("c")
    row0 = wid * _ROWS_PER_W
    lane = lax.iota(jnp.int32, 16)
    col_groups = [(lane + 16 * g) * STRIDE for g in range(_NFULL)]
    tail_cols = (lane + 16 * _NFULL) * STRIDE
    tail_mask = lane < _NTAIL
    tail_out = lane + 16 * _NFULL

    def chunk(c, carry):
        r0 = row0 + c * _RCHUNK
        pltpu.sync_copy(x_hbm.at[pl.ds(r0, _RCHUNK)], in_v)

        def row(r, carry2):
            rows = lane * 0 + r
            for g in range(_NFULL):
                vals = plsc.load_gather(in_v, [rows, col_groups[g]])
                out_v[r, pl.ds(16 * g, 16)] = vals
            vals = plsc.load_gather(in_v, [rows, tail_cols], mask=tail_mask)
            plsc.store_scatter(out_v, [rows, tail_out], vals, mask=tail_mask)
            return carry2

        lax.fori_loop(0, _RCHUNK, row, 0)
        pltpu.sync_copy(out_v, out_hbm.at[pl.ds(r0, _RCHUNK)])
        return carry

    lax.fori_loop(0, _NCHUNK, chunk, 0)


_sc_gather = pl.kernel(
    _body,
    mesh=plsc.VectorSubcoreMesh(core_axis_name="c", subcore_axis_name="s"),
    out_type=jax.ShapeDtypeStruct((N_ROWS, N_OUT), jnp.float32),
    scratch_types=[
        pltpu.VMEM((_RCHUNK, N_COLS), jnp.float32),
        pltpu.VMEM((_RCHUNK, N_OUT), jnp.float32),
    ],
    compiler_params=pltpu.CompilerParams(needs_layout_passes=False),
)


@jax.jit
def kernel(x, mask):
    del mask
    return _sc_gather(x)

# --- scband reference (transcript-rebuilt; emitter-appended) ---
"""Pipeline reference for scband-image-net-xmasking-layer-38783554683135 (READ-ONLY COPY).

The authoritative reference and input builder live on the scoring server;
editing this copy changes nothing except your own understanding.
"""

import jax, jax.numpy as jnp
import numpy as np

MASK = jnp.asarray(np.arange(0, 1000, 5), dtype=jnp.int64)

def setup_inputs(seed: int = 0) -> dict:
    key = jax.random.key(seed)
    x = jax.random.normal(key, (4096, 1000), dtype=jnp.float32)
    return {"x": x, "mask": MASK}

def reference(x, mask):
    # Faithful translation of: return x[:, self.mask]
    # Column gather over the class dimension.
    return jnp.take(x, mask, axis=1)

if __name__ == "__main__":
    import jax
    _d = setup_inputs()
    print(jax.jit(kernel)(*tuple(_d.values())))

</pallas_src>

<mosaic_0001>
#map = affine_map<(d0, d1) -> (0, 0)>
module attributes {stable_mosaic.version = 14 : i64} {
  func.func @_body(%arg0: i32, %arg1: i32, %arg2: memref<4096x1000xf32, #tpu.memory_space<hbm>>, %arg3: memref<4096x200xf32, #tpu.memory_space<hbm>>, %arg4: memref<64x1000xf32, #tpu.memory_space<vmem>>, %arg5: memref<64x200xf32, #tpu.memory_space<vmem>>) attributes {dimension_semantics = [#tpu.dimension_semantics<core_parallel>, #tpu.dimension_semantics<subcore_parallel>], iteration_bounds = array<i64: 2, 16>, scalar_prefetch = 0 : i64, scratch_operands = 2 : i64, tpu.core_type = #tpu.core_type<sc_vector_subcore>, window_params = [{transform_indices = #map}, {transform_indices = #map}]} {
    %mul3A = arith.constant 2 : i32
    %mul3A_0 = arith.muli %arg1, %mul3A : i32
    %add3A = arith.addi %mul3A_0, %arg0 : i32
    %mul3A_1 = arith.constant 128 : i32
    %mul3A_2 = arith.muli %add3A, %mul3A_1 : i32
    %iota3A = tpu.iota {dimensions = array<i32: 0>} : vector<16xi32>
    %add3A_3 = arith.constant 0 : i32
    %add3A_4 = vector.broadcast %add3A_3 : i32 to vector<16xi32>
    %add3A_5 = arith.addi %iota3A, %add3A_4 : vector<16xi32>
    %mul3A_6 = arith.constant 5 : i32
    %mul3A_7 = vector.broadcast %mul3A_6 : i32 to vector<16xi32>
    %mul3A_8 = arith.muli %add3A_5, %mul3A_7 : vector<16xi32>
    %add3A_9 = arith.constant 16 : i32
    %add3A_10 = vector.broadcast %add3A_9 : i32 to vector<16xi32>
    %add3A_11 = arith.addi %iota3A, %add3A_10 : vector<16xi32>
    %mul3A_12 = arith.constant 5 : i32
    %mul3A_13 = vector.broadcast %mul3A_12 : i32 to vector<16xi32>
    %mul3A_14 = arith.muli %add3A_11, %mul3A_13 : vector<16xi32>
    %add3A_15 = arith.constant 32 : i32
    %add3A_16 = vector.broadcast %add3A_15 : i32 to vector<16xi32>
    %add3A_17 = arith.addi %iota3A, %add3A_16 : vector<16xi32>
    %mul3A_18 = arith.constant 5 : i32
    %mul3A_19 = vector.broadcast %mul3A_18 : i32 to vector<16xi32>
    %mul3A_20 = arith.muli %add3A_17, %mul3A_19 : vector<16xi32>
    %add3A_21 = arith.constant 48 : i32
    %add3A_22 = vector.broadcast %add3A_21 : i32 to vector<16xi32>
    %add3A_23 = arith.addi %iota3A, %add3A_22 : vector<16xi32>
    %mul3A_24 = arith.constant 5 : i32
    %mul3A_25 = vector.broadcast %mul3A_24 : i32 to vector<16xi32>
    %mul3A_26 = arith.muli %add3A_23, %mul3A_25 : vector<16xi32>
    %add3A_27 = arith.constant 64 : i32
    %add3A_28 = vector.broadcast %add3A_27 : i32 to vector<16xi32>
    %add3A_29 = arith.addi %iota3A, %add3A_28 : vector<16xi32>
    %mul3A_30 = arith.constant 5 : i32
    %mul3A_31 = vector.broadcast %mul3A_30 : i32 to vector<16xi32>
    %mul3A_32 = arith.muli %add3A_29, %mul3A_31 : vector<16xi32>
    %add3A_33 = arith.constant 80 : i32
    %add3A_34 = vector.broadcast %add3A_33 : i32 to vector<16xi32>
    %add3A_35 = arith.addi %iota3A, %add3A_34 : vector<16xi32>
    %mul3A_36 = arith.constant 5 : i32
    %mul3A_37 = vector.broadcast %mul3A_36 : i32 to vector<16xi32>
    %mul3A_38 = arith.muli %add3A_35, %mul3A_37 : vector<16xi32>
    %add3A_39 = arith.constant 96 : i32
    %add3A_40 = vector.broadcast %add3A_39 : i32 to vector<16xi32>
    %add3A_41 = arith.addi %iota3A, %add3A_40 : vector<16xi32>
    %mul3A_42 = arith.constant 5 : i32
    %mul3A_43 = vector.broadcast %mul3A_42 : i32 to vector<16xi32>
    %mul3A_44 = arith.muli %add3A_41, %mul3A_43 : vector<16xi32>
    %add3A_45 = arith.constant 112 : i32
    %add3A_46 = vector.broadcast %add3A_45 : i32 to vector<16xi32>
    %add3A_47 = arith.addi %iota3A, %add3A_46 : vector<16xi32>
    %mul3A_48 = arith.constant 5 : i32
    %mul3A_49 = vector.broadcast %mul3A_48 : i32 to vector<16xi32>
    %mul3A_50 = arith.muli %add3A_47, %mul3A_49 : vector<16xi32>
    %add3A_51 = arith.constant 128 : i32
    %add3A_52 = vector.broadcast %add3A_51 : i32 to vector<16xi32>
    %add3A_53 = arith.addi %iota3A, %add3A_52 : vector<16xi32>
    %mul3A_54 = arith.constant 5 : i32
    %mul3A_55 = vector.broadcast %mul3A_54 : i32 to vector<16xi32>
    %mul3A_56 = arith.muli %add3A_53, %mul3A_55 : vector<16xi32>
    %add3A_57 = arith.constant 144 : i32
    %add3A_58 = vector.broadcast %add3A_57 : i32 to vector<16xi32>
    %add3A_59 = arith.addi %iota3A, %add3A_58 : vector<16xi32>
    %mul3A_60 = arith.constant 5 : i32
    %mul3A_61 = vector.broadcast %mul3A_60 : i32 to vector<16xi32>
    %mul3A_62 = arith.muli %add3A_59, %mul3A_61 : vector<16xi32>
    %add3A_63 = arith.constant 160 : i32
    %add3A_64 = vector.broadcast %add3A_63 : i32 to vector<16xi32>
    %add3A_65 = arith.addi %iota3A, %add3A_64 : vector<16xi32>
    %mul3A_66 = arith.constant 5 : i32
    %mul3A_67 = vector.broadcast %mul3A_66 : i32 to vector<16xi32>
    %mul3A_68 = arith.muli %add3A_65, %mul3A_67 : vector<16xi32>
    %add3A_69 = arith.constant 176 : i32
    %add3A_70 = vector.broadcast %add3A_69 : i32 to vector<16xi32>
    %add3A_71 = arith.addi %iota3A, %add3A_70 : vector<16xi32>
    %mul3A_72 = arith.constant 5 : i32
    %mul3A_73 = vector.broadcast %mul3A_72 : i32 to vector<16xi32>
    %mul3A_74 = arith.muli %add3A_71, %mul3A_73 : vector<16xi32>
    %add3A_75 = arith.constant 192 : i32
    %add3A_76 = vector.broadcast %add3A_75 : i32 to vector<16xi32>
    %add3A_77 = arith.addi %iota3A, %add3A_76 : vector<16xi32>
    %mul3A_78 = arith.constant 5 : i32
    %mul3A_79 = vector.broadcast %mul3A_78 : i32 to vector<16xi32>
    %mul3A_80 = arith.muli %add3A_77, %mul3A_79 : vector<16xi32>
    %lt3A = arith.constant 8 : i32
    %lt3A_81 = vector.broadcast %lt3A : i32 to vector<16xi32>
    %lt3A_82 = arith.cmpi slt, %iota3A, %lt3A_81 : vector<16xi32>
    %add3A_83 = arith.constant 192 : i32
    %add3A_84 = vector.broadcast %add3A_83 : i32 to vector<16xi32>
    %add3A_85 = arith.addi %iota3A, %add3A_84 : vector<16xi32>
    %scan3A = arith.constant 0 : i32
    %scan3A_86 = arith.constant 0 : i32
    %scan3A_87 = arith.constant 2 : i32
    %scan3A_88 = arith.addi %scan3A_86, %scan3A_87 : i32
    %scan3A_89 = arith.constant 1 : i32
    scf.for %scan3A_91 = %scan3A_86 to %scan3A_88 step %scan3A_89  : i32 {
      %mul3A_92 = arith.constant 64 : i32
      %mul3A_93 = arith.muli %scan3A_91, %mul3A_92 : i32
      %add3A_94 = arith.addi %mul3A_2, %mul3A_93 : i32
      "tpu.region"() ({
        %run_scoped3A = tpu.sem_alloc : memref<!tpu.dma_semaphore, #tpu.memory_space<semaphore_mem>>
        %dma_start3A = arith.constant 0 : i32
        %dma_start3A_101 = tpu.memref_slice %arg2[%add3A_94, %dma_start3A] : memref<4096x1000xf32, #tpu.memory_space<hbm>> -> memref<64x1000xf32, #tpu.memory_space<hbm>>
        %dma_start3A_102 = arith.constant 0 : i32
        %dma_start3A_103 = tpu.memref_slice %arg2[%add3A_94, %dma_start3A_102] : memref<4096x1000xf32, #tpu.memory_space<hbm>> -> memref<64x1000xf32, #tpu.memory_space<hbm>>
        tpu.enqueue_dma source(%dma_start3A_103 : memref<64x1000xf32, #tpu.memory_space<hbm>>) target(%arg4 : memref<64x1000xf32, #tpu.memory_space<vmem>>) target_semaphore(%run_scoped3A : memref<!tpu.dma_semaphore, #tpu.memory_space<semaphore_mem>>)
        %dma_wait3A = arith.constant 0 : i32
        %dma_wait3A_104 = tpu.memref_slice %arg2[%add3A_94, %dma_wait3A] : memref<4096x1000xf32, #tpu.memory_space<hbm>> -> memref<64x1000xf32, #tpu.memory_space<hbm>>
        %dma_wait3A_105 = arith.constant 0 : i32
        %dma_wait3A_106 = tpu.memref_slice %arg2[%add3A_94, %dma_wait3A_105] : memref<4096x1000xf32, #tpu.memory_space<hbm>> -> memref<64x1000xf32, #tpu.memory_space<hbm>>
        tpu.wait_dma2 semaphore(%run_scoped3A : memref<!tpu.dma_semaphore, #tpu.memory_space<semaphore_mem>>) src(%dma_wait3A_106 : memref<64x1000xf32, #tpu.memory_space<hbm>>) dst(%arg4 : memref<64x1000xf32, #tpu.memory_space<vmem>>)
        tpu.yield
      }) : () -> ()
      %scan3A_95 = arith.constant 0 : i32
      %scan3A_96 = arith.constant 0 : i32
      %scan3A_97 = arith.constant 64 : i32
      %scan3A_98 = arith.addi %scan3A_96, %scan3A_97 : i32
      %scan3A_99 = arith.constant 1 : i32
      scf.for %scan3A_101 = %scan3A_96 to %scan3A_98 step %scan3A_99  : i32 {
        %mul3A_102 = arith.constant 0 : i32
        %mul3A_103 = vector.broadcast %mul3A_102 : i32 to vector<16xi32>
        %mul3A_104 = arith.muli %iota3A, %mul3A_103 : vector<16xi32>
        %add3A_105 = vector.broadcast %scan3A_101 : i32 to vector<16xi32>
        %add3A_106 = arith.addi %mul3A_104, %add3A_105 : vector<16xi32>
        %gather3A = tpu.vector_load_idx %arg4[%add3A_106, %mul3A_8] : memref<64x1000xf32, #tpu.memory_space<vmem>>[vector<16xi32>, vector<16xi32>], vector<16xf32>,
        %swap3A = arith.index_cast %scan3A_101 : i32 to index
        %swap3A_107 = arith.constant 0 : index
        %swap3A_108 = tpu.vector_load %arg5[%swap3A, %swap3A_107] {strides = array<i32>} : memref<64x200xf32, #tpu.memory_space<vmem>>, vector<16xf32>,
        tpu.vector_store %arg5[%swap3A, %swap3A_107], %gather3A {strides = array<i32>} : memref<64x200xf32, #tpu.memory_space<vmem>>, vector<16xf32>,
        %gather3A_109 = tpu.vector_load_idx %arg4[%add3A_106, %mul3A_14] : memref<64x1000xf32, #tpu.memory_space<vmem>>[vector<16xi32>, vector<16xi32>], vector<16xf32>,
        %swap3A_110 = arith.index_cast %scan3A_101 : i32 to index
        %swap3A_111 = arith.constant 16 : index
        %swap3A_112 = tpu.vector_load %arg5[%swap3A_110, %swap3A_111] {strides = array<i32>} : memref<64x200xf32, #tpu.memory_space<vmem>>, vector<16xf32>,
        tpu.vector_store %arg5[%swap3A_110, %swap3A_111], %gather3A_109 {strides = array<i32>} : memref<64x200xf32, #tpu.memory_space<vmem>>, vector<16xf32>,
        %gather3A_113 = tpu.vector_load_idx %arg4[%add3A_106, %mul3A_20] : memref<64x1000xf32, #tpu.memory_space<vmem>>[vector<16xi32>, vector<16xi32>], vector<16xf32>,
        %swap3A_114 = arith.index_cast %scan3A_101 : i32 to index
        %swap3A_115 = arith.constant 32 : index
        %swap3A_116 = tpu.vector_load %arg5[%swap3A_114, %swap3A_115] {strides = array<i32>} : memref<64x200xf32, #tpu.memory_space<vmem>>, vector<16xf32>,
        tpu.vector_store %arg5[%swap3A_114, %swap3A_115], %gather3A_113 {strides = array<i32>} : memref<64x200xf32, #tpu.memory_space<vmem>>, vector<16xf32>,
        %gather3A_117 = tpu.vector_load_idx %arg4[%add3A_106, %mul3A_26] : memref<64x1000xf32, #tpu.memory_space<vmem>>[vector<16xi32>, vector<16xi32>], vector<16xf32>,
        %swap3A_118 = arith.index_cast %scan3A_101 : i32 to index
        %swap3A_119 = arith.constant 48 : index
        %swap3A_120 = tpu.vector_load %arg5[%swap3A_118, %swap3A_119] {strides = array<i32>} : memref<64x200xf32, #tpu.memory_space<vmem>>, vector<16xf32>,
        tpu.vector_store %arg5[%swap3A_118, %swap3A_119], %gather3A_117 {strides = array<i32>} : memref<64x200xf32, #tpu.memory_space<vmem>>, vector<16xf32>,
        %gather3A_121 = tpu.vector_load_idx %arg4[%add3A_106, %mul3A_32] : memref<64x1000xf32, #tpu.memory_space<vmem>>[vector<16xi32>, vector<16xi32>], vector<16xf32>,
        %swap3A_122 = arith.index_cast %scan3A_101 : i32 to index
        %swap3A_123 = arith.constant 64 : index
        %swap3A_124 = tpu.vector_load %arg5[%swap3A_122, %swap3A_123] {strides = array<i32>} : memref<64x200xf32, #tpu.memory_space<vmem>>, vector<16xf32>,
        tpu.vector_store %arg5[%swap3A_122, %swap3A_123], %gather3A_121 {strides = array<i32>} : memref<64x200xf32, #tpu.memory_space<vmem>>, vector<16xf32>,
        %gather3A_125 = tpu.vector_load_idx %arg4[%add3A_106, %mul3A_38] : memref<64x1000xf32, #tpu.memory_space<vmem>>[vector<16xi32>, vector<16xi32>], vector<16xf32>,
        %swap3A_126 = arith.index_cast %scan3A_101 : i32 to index
        %swap3A_127 = arith.constant 80 : index
        %swap3A_128 = tpu.vector_load %arg5[%swap3A_126, %swap3A_127] {strides = array<i32>} : memref<64x200xf32, #tpu.memory_space<vmem>>, vector<16xf32>,
        tpu.vector_store %arg5[%swap3A_126, %swap3A_127], %gather3A_125 {strides = array<i32>} : memref<64x200xf32, #tpu.memory_space<vmem>>, vector<16xf32>,
        %gather3A_129 = tpu.vector_load_idx %arg4[%add3A_106, %mul3A_44] : memref<64x1000xf32, #tpu.memory_space<vmem>>[vector<16xi32>, vector<16xi32>], vector<16xf32>,
        %swap3A_130 = arith.index_cast %scan3A_101 : i32 to index
        %swap3A_131 = arith.constant 96 : index
        %swap3A_132 = tpu.vector_load %arg5[%swap3A_130, %swap3A_131] {strides = array<i32>} : memref<64x200xf32, #tpu.memory_space<vmem>>, vector<16xf32>,
        tpu.vector_store %arg5[%swap3A_130, %swap3A_131], %gather3A_129 {strides = array<i32>} : memref<64x200xf32, #tpu.memory_space<vmem>>, vector<16xf32>,
        %gather3A_133 = tpu.vector_load_idx %arg4[%add3A_106, %mul3A_50] : memref<64x1000xf32, #tpu.memory_space<vmem>>[vector<16xi32>, vector<16xi32>], vector<16xf32>,
        %swap3A_134 = arith.index_cast %scan3A_101 : i32 to index
        %swap3A_135 = arith.constant 112 : index
        %swap3A_136 = tpu.vector_load %arg5[%swap3A_134, %swap3A_135] {strides = array<i32>} : memref<64x200xf32, #tpu.memory_space<vmem>>, vector<16xf32>,
        tpu.vector_store %arg5[%swap3A_134, %swap3A_135], %gather3A_133 {strides = array<i32>} : memref<64x200xf32, #tpu.memory_space<vmem>>, vector<16xf32>,
        %gather3A_137 = tpu.vector_load_idx %arg4[%add3A_106, %mul3A_56] : memref<64x1000xf32, #tpu.memory_space<vmem>>[vector<16xi32>, vector<16xi32>], vector<16xf32>,
        %swap3A_138 = arith.index_cast %scan3A_101 : i32 to index
        %swap3A_139 = arith.constant 128 : index
        %swap3A_140 = tpu.vector_load %arg5[%swap3A_138, %swap3A_139] {strides = array<i32>} : memref<64x200xf32, #tpu.memory_space<vmem>>, vector<16xf32>,
        tpu.vector_store %arg5[%swap3A_138, %swap3A_139], %gather3A_137 {strides = array<i32>} : memref<64x200xf32, #tpu.memory_space<vmem>>, vector<16xf32>,
        %gather3A_141 = tpu.vector_load_idx %arg4[%add3A_106, %mul3A_62] : memref<64x1000xf32, #tpu.memory_space<vmem>>[vector<16xi32>, vector<16xi32>], vector<16xf32>,
        %swap3A_142 = arith.index_cast %scan3A_101 : i32 to index
        %swap3A_143 = arith.constant 144 : index
        %swap3A_144 = tpu.vector_load %arg5[%swap3A_142, %swap3A_143] {strides = array<i32>} : memref<64x200xf32, #tpu.memory_space<vmem>>, vector<16xf32>,
        tpu.vector_store %arg5[%swap3A_142, %swap3A_143], %gather3A_141 {strides = array<i32>} : memref<64x200xf32, #tpu.memory_space<vmem>>, vector<16xf32>,
        %gather3A_145 = tpu.vector_load_idx %arg4[%add3A_106, %mul3A_68] : memref<64x1000xf32, #tpu.memory_space<vmem>>[vector<16xi32>, vector<16xi32>], vector<16xf32>,
        %swap3A_146 = arith.index_cast %scan3A_101 : i32 to index
        %swap3A_147 = arith.constant 160 : index
        %swap3A_148 = tpu.vector_load %arg5[%swap3A_146, %swap3A_147] {strides = array<i32>} : memref<64x200xf32, #tpu.memory_space<vmem>>, vector<16xf32>,
        tpu.vector_store %arg5[%swap3A_146, %swap3A_147], %gather3A_145 {strides = array<i32>} : memref<64x200xf32, #tpu.memory_space<vmem>>, vector<16xf32>,
        %gather3A_149 = tpu.vector_load_idx %arg4[%add3A_106, %mul3A_74] : memref<64x1000xf32, #tpu.memory_space<vmem>>[vector<16xi32>, vector<16xi32>], vector<16xf32>,
        %swap3A_150 = arith.index_cast %scan3A_101 : i32 to index
        %swap3A_151 = arith.constant 176 : index
        %swap3A_152 = tpu.vector_load %arg5[%swap3A_150, %swap3A_151] {strides = array<i32>} : memref<64x200xf32, #tpu.memory_space<vmem>>, vector<16xf32>,
        tpu.vector_store %arg5[%swap3A_150, %swap3A_151], %gather3A_149 {strides = array<i32>} : memref<64x200xf32, #tpu.memory_space<vmem>>, vector<16xf32>,
        %gather3A_153 = tpu.vector_load_idx %arg4[%add3A_106, %mul3A_80] masked %lt3A_82 : memref<64x1000xf32, #tpu.memory_space<vmem>>[vector<16xi32>, vector<16xi32>], vector<16xf32>, vector<16xi1>
        tpu.vector_store_idx %arg5[%add3A_106, %add3A_85], %gather3A_153 masked %lt3A_82 : memref<64x200xf32, #tpu.memory_space<vmem>>[vector<16xi32>, vector<16xi32>], vector<16xf32>, vector<16xi1>
      }
      %scan3A_100 = arith.constant 64 : i32
      "tpu.region"() ({
        %run_scoped3A = tpu.sem_alloc : memref<!tpu.dma_semaphore, #tpu.memory_space<semaphore_mem>>
        %dma_start3A = arith.constant 0 : i32
        %dma_start3A_101 = tpu.memref_slice %arg3[%add3A_94, %dma_start3A] : memref<4096x200xf32, #tpu.memory_space<hbm>> -> memref<64x200xf32, #tpu.memory_space<hbm>>
        %dma_start3A_102 = arith.constant 0 : i32
        %dma_start3A_103 = tpu.memref_slice %arg3[%add3A_94, %dma_start3A_102] : memref<4096x200xf32, #tpu.memory_space<hbm>> -> memref<64x200xf32, #tpu.memory_space<hbm>>
        tpu.enqueue_dma source(%arg5 : memref<64x200xf32, #tpu.memory_space<vmem>>) target(%dma_start3A_103 : memref<64x200xf32, #tpu.memory_space<hbm>>) target_semaphore(%run_scoped3A : memref<!tpu.dma_semaphore, #tpu.memory_space<semaphore_mem>>)
        %dma_wait3A = arith.constant 0 : i32
        %dma_wait3A_104 = tpu.memref_slice %arg3[%add3A_94, %dma_wait3A] : memref<4096x200xf32, #tpu.memory_space<hbm>> -> memref<64x200xf32, #tpu.memory_space<hbm>>
        %dma_wait3A_105 = arith.constant 0 : i32
        %dma_wait3A_106 = tpu.memref_slice %arg3[%add3A_94, %dma_wait3A_105] : memref<4096x200xf32, #tpu.memory_space<hbm>> -> memref<64x200xf32, #tpu.memory_space<hbm>>
        tpu.wait_dma2 semaphore(%run_scoped3A : memref<!tpu.dma_semaphore, #tpu.memory_space<semaphore_mem>>) src(%arg5 : memref<64x200xf32, #tpu.memory_space<vmem>>) dst(%dma_wait3A_106 : memref<64x200xf32, #tpu.memory_space<hbm>>)
        tpu.yield
      }) : () -> ()
    }
    %scan3A_90 = arith.constant 2 : i32
    return
  }
}

</mosaic_0001>

<sc_bundles>
// kernel: kernel.3.cloned.1.call-start
scs
__scs_entry_jumppad:
0x0: {  	(pc) =	sbr.rel $0x88, $3  }
0x1: {  	(tag) =	ssettag $0x0;
	lr =	simm.s32 $0x1  }
0x2: {  	[smem:$0x3FA0] =	sst lr;
	_ =	strace $0xD0000000  }
0x3: {  	_ = 	snop  }
0x4: {  	_ = 	snop  }
0x5: {  	_ = 	snop  }
0x6: {  	_ = 	snop  }
0x7: {  	_ = 	snop  }
__scs_overlays_trampoline_lowered:
0x8: {  	[smem:$0x3FAF] =	sst s0  }
0x9: {  	[smem:$0x3FB0] =	sst s1  }
0xa: {  	[smem:$0x3FB1] =	sst s2  }
0xb: {  	[smem:$0x3FB2] =	sst s3  }
0xc: {  	[smem:$0x3FB3] =	sst s4  }
0xd: {  	[smem:$0x3FB4] =	sst s5  }
0xe: {  	[smem:$0x3FB5] =	sst s6  }
0xf: {  	[smem:$0x3FB6] =	sst s7  }
0x10: {  	[smem:$0x3FB7] =	sst s8  }
0x11: {  	[smem:$0x3FB8] =	sst s9;
	s0 =	simm.s32 @!p0 $0x0  }
0x12: {  	s1 =	sld [smem:$0x3F9E];
	s0 =	simm.s32 @p0 $0x1  }
0x13: {  	[smem:$0x3FB9] =	sst s0;
	s0 =	simm.s32 @!p1 $0x0  }
0x14: {  	s2 =	sld [smem:$0x3F9D];
	s0 =	simm.s32 @p1 $0x1  }
0x15: {  	[smem:$0x3FBA] =	sst s0;
	s0 =	simm.s32 @!p2 $0x0  }
0x16: {  	s3 =	sld [smem:$0x3FDB];
	s0 =	simm.s32 @p2 $0x1  }
0x17: {  	s4 =	simm.s32 $0x1BF5;
	[smem:$0x3FBC] =	sst s0  }
0x18: {  	s0 =	sld [smem:$0x3F9F];
	_ =	swait.ge [sflag:s4], $0x0  }
0x19: {  	s7 =	sld [smem:$0x3FA0]  }
0x1a: {  	s8 =	sadd.s32 $0xFFFFE003, lr  }
0x1b: {  	s9 =	sadd.s32 $0xFFFFFEF7, lr;
	s5 =	simm.s32 $0xFFFFFFFF;
	p2 =	slt.u32 s8, $0xFFFFF086  }
0x1c: {  	p1 =	slt.u32 s9, $0xF7A;
	s5 =	simm.s32 @!p2 $0x0  }
0x1d: {  	s5 =	simm.s32 @p1 $0x1;
	p0 =	seq.s32 s7, s2  }
0x1e: {  	s7 =	smul.u32 @!p0 $0xF7A, s2;
	p2 =	seq.s32 @!p0 s5, $0x0  }
0x1f: {  	s9 =	smul.u32 $0xF7A, s1;
	s8 =	simm.s32 @!p0 $0x1BF5;
	p2 =	por !p2, p0  }
0x20: {  	[sflag:s8] =	ssyncset.s32 @!p0 $0xFFFFF086;
	s6 =	sadd.s32 @!p0 s3, s7;
	s7 =	simm.s32 @!p0 $0x108  }
0x21: {  	s3 =	sadd.s32 s3, s9;
	s6 =	sadd.s32 @!p0 $0x88, s6;
	s7 =	simm.s32 @p2 $0x1082  }
0x22: {  	[simem:s7], [sflag:s8] =	dma.local @!p0 [hbm:s6], $0xF7A  }
0x23: {  	s9 =	sor.u32 $0xD0000000, s2;
	s6 =	simm.s32 $0x108;
	_ =	swait.ge @!p0 [sflag:s8], $0x0  }
0x24: {  	s3 =	sadd.s32 $0x88, s3;
	s6 =	simm.s32 @!p1 $0x1082;
	[sflag:s4] =	ssyncset.s32 $0xFFFFF086  }
0x25: {  	[simem:s6], [sflag:s4] =	dma.local [hbm:s3], $0xF7A  }
0x26: {  	[smem:$0x3FA0] =	sst s1;
	(tag) =	ssettag s2;
	_ =	strace s9  }
0x27: {  	s1 =	sld [smem:$0x3FB0]  }
0x28: {  	s2 =	sld [smem:$0x3FB1]  }
0x29: {  	s4 =	sld [smem:$0x3FB3]  }
0x2a: {  	p0 =	seq.s32 s5, $0x0;
	s5 =	sld [smem:$0x3FB4]  }
0x2b: {  	s6 =	sld [smem:$0x3FB5]  }
0x2c: {  	s7 =	sld [smem:$0x3FB6]  }
0x2d: {  	s3 =	simm.s32 $0x108;
	s8 =	sld [smem:$0x3FB7]  }
0x2e: {  	s3 =	simm.s32 @!p0 $0x1082;
	s9 =	sld [smem:$0x3FB8]  }
0x2f: {  	lr =	sadd.s32 s0, s3;
	s0 =	sld [smem:$0x3FAF]  }
0x30: {  	s3 =	sld [smem:$0x3FB2]  }
0x31: {  	[smem:$0x3FBB] =	sst s10  }
0x32: {  	s10 =	sld [smem:$0x3FB9];
	_ =	sdelay $0x3  }
0x33: {  	p0 =	seq.s32 s10, $0x1;
	s10 =	sld [smem:$0x3FBB];
	_ =	sdelay $0x3  }
0x34: {  	[smem:$0x3FBB] =	sst s10  }
0x35: {  	s10 =	sld [smem:$0x3FBA];
	_ =	sdelay $0x3  }
0x36: {  	p1 =	seq.s32 s10, $0x1;
	s10 =	sld [smem:$0x3FBB];
	_ =	sdelay $0x3  }
0x37: {  	[smem:$0x3FBB] =	sst s10  }
0x38: {  	s10 =	sld [smem:$0x3FBC]  }
0x39: {  	_ = 	snop;
	(pc) =	sbr.ind lr, $3  }
0x3a: {  	_ = 	snop  }
0x3b: {  	_ = 	snop  }
0x3c: {  	p2 =	seq.s32 s10, $0x1;
	s10 =	sld [smem:$0x3FBB]  }
0x3d: {  	_ =	shalt  }
0x3e: {  	_ =	shalt  }
0x3f: {  	_ =	shalt  }
0x40: {  	_ =	shalt  }
0x41: {  	_ =	shalt  }
0x42: {  	_ =	shalt  }
0x43: {  	_ =	shalt  }
0x44: {  	_ =	shalt  }
0x45: {  	_ =	shalt  }
0x46: {  	_ =	shalt  }
0x47: {  	_ =	shalt  }
0x48: {  	_ =	shalt  }
0x49: {  	_ =	shalt  }
0x4a: {  	_ =	shalt  }
0x4b: {  	_ =	shalt  }
0x4c: {  	_ =	shalt  }
0x4d: {  	_ =	shalt  }
0x4e: {  	_ =	shalt  }
0x4f: {  	_ =	shalt  }
0x50: {  	_ =	shalt  }
0x51: {  	_ =	shalt  }
0x52: {  	_ =	shalt  }
0x53: {  	_ =	shalt  }
0x54: {  	_ =	shalt  }
0x55: {  	_ =	shalt  }
0x56: {  	_ =	shalt  }
0x57: {  	_ =	shalt  }
0x58: {  	_ =	shalt  }
0x59: {  	_ =	shalt  }
0x5a: {  	_ =	shalt  }
0x5b: {  	_ =	shalt  }
0x5c: {  	_ =	shalt  }
0x5d: {  	_ =	shalt  }
0x5e: {  	_ =	shalt  }
0x5f: {  	_ =	shalt  }
0x60: {  	_ =	shalt  }
0x61: {  	_ =	shalt  }
0x62: {  	_ =	shalt  }
0x63: {  	_ =	shalt  }
0x64: {  	_ =	shalt  }
0x65: {  	_ =	shalt  }
0x66: {  	_ =	shalt  }
0x67: {  	_ =	shalt  }
0x68: {  	_ =	shalt  }
0x69: {  	_ =	shalt  }
0x6a: {  	_ =	shalt  }
0x6b: {  	_ =	shalt  }
0x6c: {  	_ =	shalt  }
0x6d: {  	_ =	shalt  }
0x6e: {  	_ =	shalt  }
0x6f: {  	_ =	shalt  }
0x70: {  	_ =	shalt  }
0x71: {  	_ =	shalt  }
0x72: {  	_ =	shalt  }
0x73: {  	_ =	shalt  }
0x74: {  	_ =	shalt  }
0x75: {  	_ =	shalt  }
0x76: {  	_ =	shalt  }
0x77: {  	_ =	shalt  }
0x78: {  	_ =	shalt  }
0x79: {  	_ =	shalt  }
0x7a: {  	_ =	shalt  }
0x7b: {  	_ =	shalt  }
0x7c: {  	_ =	shalt  }
0x7d: {  	_ =	shalt  }
0x7e: {  	_ =	shalt  }
0x7f: {  	_ =	shalt  }
0x80: {  	_ =	shalt  }
0x81: {  	_ =	shalt  }
0x82: {  	_ =	shalt  }
0x83: {  	_ =	shalt  }
0x84: {  	_ =	shalt  }
0x85: {  	_ =	shalt  }
0x86: {  	_ =	shalt  }
0x87: {  	_ =	shalt  }
.Lfunc_end0:
.L_simem_size_0:
called_computation_lowered:
.L_overlay_start_0:
0x88: {  	s2 =	sld [smem:$0x3FD9]  }
0x89: {  	s3 =	sld [smem:$0x3FFE];
	_ =	sdelay $0x1  }
0x8a: {  	s1 =	srdreg.scid  }
0x8b: {  	s0 =	sand.u32 $0x1, s1  }
0x8c: {  	s16 =	sshll.u32 s0, $0xA;
	s2 =	sadd.s32 s3, s2  }
0x8d: {  	s2 =	sadd.s32 s2, s16  }
0x8e: {  	[smem:$0x3FC7] =	sst s2  }
0x8f: {  	_ = 	snop  }
0x90: {  	(tm) =	ssettm $0x1  }
0x91: {  	s17 =	sld [smem:$0x3FFB];
	_ =	sdelay $0x3  }
0x92: {  	_ =	strace s17  }
0x93: {  	s2 =	sld [smem:$0x3FFC];
	_ =	sdelay $0x3  }
0x94: {  	_ =	strace s2  }
0x95: {  	s2 =	sld [smem:$0x3FFD];
	_ =	sdelay $0x3  }
0x96: {  	_ =	strace s2  }
0x97: {  	_ =	strace $0x8FFFFFFF  }
0x98: {  	s18 =	sld [smem:$0x3FDB];
	_ =	sdelay $0x1  }
0x99: {  	s19 =	simm.s32 $_scs_section_size  }
0x9a: {  	s4 =	simm.s32 $_size__tile_overlayer_lowered;
	s5 =	simm.s32 $_tile_overlayer_lowered  }
0x9b: {  	s22 =	simm.s32 $0x1BFF;
	s21 =	sshll.u32 s5, $0x1;
	s2 =	sadd.s32 s19, s18  }
0x9c: {  	s6 =	simm.s32 $0x0;
	s20 =	sshll.u32 s4, $0x1;
	s4 =	sadd.s32 s21, s2  }
0x9d: {  	[timem:s6], [sflag:s22] =	dma.local [hbm:s4], s20  }
0x9e: {  	_ =	swait.ge [sflag:s22], s20  }
0x9f: {  	s3 =	ssub.s32 $0x0, s20;
	[sflag:s22] =	ssyncset.done $0x0  }
0xa0: {  	[sflag:s22] =	ssyncadd.s32 s3;
	_ =	sdelay $0x1  }
0xa1: {  	s23 =	simm.s32 $0x1B8B  }
0xa2: {  	_ =	swait.ge [sflag:s23], $0x1  }
0xa3: {  	[sflag:s23] =	ssyncset.done $0x0  }
0xa4: {  	s25 =	simm.s32 $0x1B8E;
	s24 =	sld [smem:$0x3FFE];
	[sflag:s23] =	ssyncadd.s32 $0xFFFFFFFF  }
0xa5: {  	s26 =	simm.s32 $execute0_lowered;
	[smem:$0x3FD2] =	sst s25  }
0xa6: {  	s4 =	sshll.u32 s26, $0x1;
	_ =	strace $0x80000046;
	[dreg:$0x1] =	wrdreg $0xFFFFFFFF  }
0xa7: {  	s28 =	simm.s32 $_size_execute0_lowered;
	s2 =	sadd.s32 s2, s4;
	[dreg:$0x0] =	wrdreg $0x0  }
0xa8: {  	s4 =	sshll.u32 s28, $0x1;
	[dreg:$0x2] =	wrdreg s2  }
0xa9: {  	[dreg:$0x3] =	wrdreg s4  }
0xaa: {  	[dreg:$0x4] =	wrdreg $0xC0  }
0xab: {  	_ =	task [dreg:s6], $0x5FFFF  }
0xac: {  	[dreg:$0x1] =	wrdreg $0xFFFFFFFF  }
0xad: {  	[dreg:$0x0] =	wrdreg $0x60  }
0xae: {  	[dreg:$0x2] =	wrdreg s24  }
0xaf: {  	[dreg:$0x3] =	wrdreg $0x9  }
0xb0: {  	_ =	task.clear_ibuf [dreg:s6], $0x4FFFF;
	_ =	strace $0x90000046  }
0xb1: {  	s29 =	simm.s32 $0x9;
	_ =	strace $0x80000048  }
0xb2: {  	_ =	swait.ge [sflag:s29], $0x1  }
0xb3: {  	[sflag:s29] =	ssyncadd.s32 $0xFFFFFFFF  }
0xb4: {  	_ =	strace $0x90000048  }
0xb5: {  	_ =	sfence  }
0xb6: {  	s30 =	sld [smem:$0x0];
	_ =	sdelay $0x2  }
0xb7: {  	s31 =	sshll.u32 s1, $0xD;
	s1 =	sshrl.u32 s1, $0x2  }
0xb8: {  	s3 =	sand.u32 $0x4000, s31;
	s1 =	sadd.s32 s1, s30  }
0xb9: {  	s0 =	sor.u32 s3, s0;
	s1 =	sshll.u32 s1, $0x11  }
0xba: {  	s0 =	sor.u32 s1, s0  }
0xbb: {  	s0 =	sadd.s32 $0x8F2B, s0  }
0xbc: {  	[sflag:s0] =	ssyncadd.remote.s32 $0x1  }
0xbd: {  	_ =	sfence.sel $0xFFFF  }
0xbe: {  	[dreg:$0x0] =	wrdreg $0xFFFFFFFF;
	(pc) =	sbr.abs _section_cstart, $3  }
0xbf: {  	[dreg:$0x1] =	wrdreg $0xFFFFFFFF  }
0xc0: {  	_ =	task.clear_ibuf [dreg:s6], $0x2FFFF;
	_ =	strace $0x9FFFFFFF  }
0xc1: {  	(tm) =	ssettm $0x7FFFFFFF  }
tec
execute0_lowered:
.L_overlay_start_1:
0x0: {  	(tag) =	ssettag $0x1  }
0x1: {  	v0 =	vimm.s32 $0x5F5A5550;
	v1 =	vimm.s32 $0x736E6964  }
0x2: {  	vm0 =	vcmask $0xF00;
	v2 =	vimm.s32 $0x7D78;
	vm1 =	vcmask $0x2720  }
0x3: {  	vm4 =	vcmask $0x2B28;
	vm3 =	vcmask $0x2F2C;
	v14 =	vlaneseq.u32  }
0x4: {  	vm2 =	vcmask $0x3330;
	vm14 =	vcmask $0x300;
	vm15 =	vcmask $0x704  }
0x5: {  	vm6 =	vcmask $0xB08;
	v3 =	vimm.s32 $0xC0B;
	vm7 =	vcmask $0xF0C  }
0x6: {  	vm8 =	vcmask $0x1310;
	vm9 =	vcmask $0x1714;
	vm10 =	vcmask $0x1B18  }
0x7: {  	vm11 =	vcmask $0x1F1C;
	vm12 =	vcmask $0x2320;
	vm13 =	vcmask $0x2724  }
0x8: {  	vm5 =	vcmask $0x3B38;
	v5 =	vimm.s32 $0x102B;
	v8 =	vimm.s32 $0x1C3B  }
0x9: {  	v11 =	vimm.s32 $0x77726D68;
	v15 =	vimm.s32 $0x635E5954;
	v0 =	vunpack.c.0.s8.s32 v0  }
0xa: {  	v1 =	vunpack.c.0.s8.s32 v1;
	v2 =	vunpack.c.0.s8.s32 v2;
	v3 =	vsel vm14, $0x840, v3  }
0xb: {  	v5 =	vsel vm14, $0xC60, v5;
	v8 =	vsel vm14, $0x1870, v8;
	v12 =	vunpack.c.0.s8.s32 v11  }
0xc: {  	v11 =	vimm.s32 $0xB06017C;
	v15 =	vunpack.c.0.s8.s32 v15;
	v3 =	vsel vm15, $0x845, v3  }
0xd: {  	v5 =	vsel vm15, $0xC65, v5;
	v0 =	vnsel vm0, $0x41B, v0;
	vm0 =	vcmask $0x1F10  }
0xe: {  	v8 =	vsel vm15, $0x1875, v8;
	v13 =	vunpack.c.0.s8.s32 v11;
	v0 =	vsel vm0, v1, v0  }
0xf: {  	v11 =	vimm.s32 $0x4F4A4540;
	v0 =	vsel vm1, v2, v0;
	v2 =	vimm.s32 $0x83B  }
0x10: {  	v3 =	vsel vm6, $0x84A, v3;
	v5 =	vsel vm6, $0xC6A, v5;
	v2 =	vsel vm14, $0x470, v2  }
0x11: {  	v8 =	vsel vm6, $0x187A, v8;
	v17 =	vunpack.c.0.s8.s32 v11;
	v2 =	vsel vm15, $0x475, v2  }
0x12: {  	v3 =	vsel vm7, $0x84F, v3;
	v7 =	vsel vm7, $0xC6F, v5;
	v2 =	vsel vm6, $0x47A, v2  }
0x13: {  	v8 =	vsel vm7, $0x187F, v8;
	v13 =	vsel vm0, v13, v12;
	v2 =	vsel vm7, $0x47F, v2  }
0x14: {  	v12 =	vimm.s32 $0x2000;
	vm1 =	vcmask $0x3734;
	v2 =	vsel vm8, $0x804, v2  }
0x15: {  	v3 =	vsel vm8, $0x854, v3;
	v7 =	vsel vm8, $0xC74, v7;
	v2 =	vsel vm9, $0x809, v2  }
0x16: {  	v8 =	vsel vm8, $0x1C04, v8;
	v15 =	vsel vm0, v15, v17;
	v2 =	vsel vm10, $0x80E, v2  }
0x17: {  	v0 =	vsel vm4, $0x402, v0;
	v3 =	vsel vm9, $0x859, v3;
	v2 =	vsel vm11, $0x813, v2  }
0x18: {  	v7 =	vsel vm9, $0xC79, v7;
	v3 =	vsel vm10, $0x85E, v3;
	v2 =	vsel vm12, $0x818, v2  }
0x19: {  	v8 =	vsel vm9, $0x1C09, v8;
	v3 =	vsel vm11, $0x863, v3;
	v2 =	vsel vm13, $0x81D, v2  }
0x1a: {  	v13 =	vcombine.low v15, v13;
	v3 =	vsel vm12, $0x868, v3;
	v4 =	vsel vm4, $0x822, v2  }
0x1b: {  	v1 =	vsel vm3, $0x407, v0;
	v3 =	vsel vm13, $0x86D, v3;
	v4 =	vsel vm3, $0x827, v4  }
0x1c: {  	v0 =	vmul.u32 $0x5, v14;
	v3 =	vsel vm4, $0x872, v3;
	v4 =	vsel vm2, $0x82C, v4  }
0x1d: {  	v7 =	vsel vm10, $0xC7E, v7;
	v6 =	vsel vm3, $0x877, v3;
	v4 =	vsel vm1, $0x831, v4  }
0x1e: {  	v3 =	vsel vm5, $0x836, v4;
	v4 =	vsel vm2, $0x87C, v6;
	v6 =	vimm.s32 $0x181B  }
0x1f: {  	v8 =	vsel vm10, $0x1C0E, v8;
	v14 =	vor.u32 $0x40, v14;
	v6 =	vsel vm14, $0x1450, v6  }
0x20: {  	v1 =	vsel vm2, $0x40C, v1;
	v7 =	vsel vm11, $0x1003, v7;
	v6 =	vsel vm15, $0x1455, v6  }
0x21: {  	v8 =	vsel vm11, $0x1C13, v8;
	v1 =	vsel vm1, $0x411, v1;
	v6 =	vsel vm6, $0x145A, v6  }
0x22: {  	v5 =	vadd.s32 $0xC10, v0;
	v7 =	vsel vm12, $0x1008, v7;
	v6 =	vsel vm7, $0x145F, v6  }
0x23: {  	v8 =	vsel vm12, $0x1C18, v8;
	v1 =	vsel vm5, $0x416, v1;
	v6 =	vsel vm8, $0x1464, v6  }
0x24: {  	v7 =	vsel vm13, $0x100D, v7;
	v10 =	vsel vm13, $0x1C1D, v8;
	v6 =	vsel vm9, $0x1469, v6  }
0x25: {  	v8 =	vor.u32 $0x1400, v0;
	v7 =	vsel vm4, $0x1012, v7;
	v6 =	vsel vm10, $0x146E, v6  }
0x26: {  	s4 =	rddreg [dreg:$0x0];
	v10 =	vsel vm4, $0x1C22, v10;
	v7 =	vsel vm3, $0x1017, v7;
	v6 =	vsel vm11, $0x1473, v6  }
0x27: {  	s0 =	rddreg [dreg:$0x1];
	v10 =	vsel vm3, $0x1C27, v10;
	v7 =	vsel vm2, $0x101C, v7;
	v6 =	vsel vm12, $0x1478, v6  }
0x28: {  	s1 =	simm.s32 $0x0;
	s2 =	srdreg.scid;
	s8 =	simm.s32 $0x10000;
	v10 =	vsel vm2, $0x1C2C, v10;
	v7 =	vsel vm1, $0x1021, v7;
	v6 =	vsel vm13, $0x147D, v6  }
0x29: {  	s9 =	simm.s32 $0x0;
	[smem:$0x7FF] =	sst s1;
	s5 =	sand.u32 $0x1, s2;
	v16 =	vsel vm1, $0x1C31, v10;
	v10 =	vadd.s32 $0x1820, v0;
	v9 =	vsel vm4, $0x1802, v6  }
0x2a: {  	s3 =	sadd.s32 $0x400, s4;
	s2 =	stileid.u32;
	s6 =	ssub.s32 $0x2, s5;
	v11 =	vsel vm5, $0x1C36, v16;
	v2 =	vadd.s32 $0x420, v0;
	v9 =	vsel vm3, $0x1807, v9  }
0x2b: {  	s4 =	sadd.s32 $0x80400, s4;
	_ =	strace $0x80000047;
	s7 =	sshrl.u32 s6, $0x1;
	v4 =	vsel vm1, $0xC01, v4;
	vm15 =	vcmask $0x3300;
	v9 =	vsel vm2, $0x180C, v9  }
0x2c: {  	s31 =	sshll.u32 s2, $0x8;
	s5 =	sshll.u32 s5, $0x7;
	s6 =	ssub.s32 s6, s7;
	v4 =	vsel vm5, $0xC06, v4;
	v12 =	vsel vm15, $0x1C00, v12;
	v9 =	vsel vm1, $0x1811, v9  }
0x2d: {  	s5 =	sor.u32 s5, s31;
	s7 =	simm.s32 $0x1;
	s6 =	smax.u32 s6, $0x1;
	v6 =	vsel vm5, $0x1026, v7;
	v7 =	vadd.s32 $0x1030, v0;
	v9 =	vsel vm5, $0x1816, v9  }
.LBB2_1:
0x2e: {  	p1 =	por $0x1, $0x1;
	s10 =	simm.s32 $0x0  }
.LBB2_2:
0x2f: {  	s11 =	simm.s32 $0x0  }
0x30: {  	v15 =	vmov s11  }
0x31: {  	v16 =	vshrl.u32 v15, $0x3;
	v15 =	vshll.u32 v15, $0x7  }
0x32: {  	s10 =	sor.u32 s5, s10;
	v17 =	vshll.u32 v16, $0xD;
	v15 =	vand.u32 $0x380, v15  }
0x33: {  	s12 =	sshll.u32 s10, $0x7;
	v17 =	vor.u32 v15, v17  }
0x34: {  	s12 =	sadd.s32 s3, s12;
	v18 =	vor.u32 v0, v17  }
0x35: {  	[tilespmem:s11], [sflag:$0x1] =	stream.linear.gather [hbm4b:s12+s11], $0x10000, $0x38;
	[tilespmem:$0x14000] =	vst v63  }
0x36: {  	_ =	swait.ge [sflag:s7], $0x10000  }
0x37: {  	[sflag:s7] =	ssyncset.done $0x0  }
0x38: {  	[sflag:s7] =	ssyncadd.s32 $0xFFFF0000  }
0x39: {  	v18 =	vld.idx.msk [tilespmem:v18+s1+$0x0], $0xffff  }
0x3a: {  	v19 =	vor.u32 v1, v17;
	_ =	sdelay $0x1  }
0x3b: {  	s30 =	sand.u32 $0x3800, s11;
	s13 =	sand.u32 $0x380, s11  }
0x3c: {  	s13 =	sor.u32 s13, s30  }
0x3d: {  	[tilespmem:s13+$0x10000] =	vst v18  }
0x3e: {  	v18 =	vld.idx.msk [tilespmem:v19+s1+$0x0], $0xffff  }
0x3f: {  	v19 =	vor.u32 v2, v17;
	_ =	sdelay $0x3  }
0x40: {  	[tilespmem:s13+$0x10010] =	vst v18  }
0x41: {  	v18 =	vld.idx.msk [tilespmem:v19+s1+$0x0], $0xffff  }
0x42: {  	v19 =	vor.u32 v3, v17;
	_ =	sdelay $0x3  }
0x43: {  	[tilespmem:s13+$0x10020] =	vst v18  }
0x44: {  	v18 =	vld.idx.msk [tilespmem:v19+s1+$0x0], $0xffff  }
0x45: {  	v19 =	vor.u32 v4, v17;
	_ =	sdelay $0x3  }
0x46: {  	[tilespmem:s13+$0x10030] =	vst v18  }
0x47: {  	v18 =	vld.idx.msk [tilespmem:v19+s1+$0x0], $0xffff  }
0x48: {  	v19 =	vor.u32 v5, v17;
	_ =	sdelay $0x3  }
0x49: {  	[tilespmem:s13+$0x10040] =	vst v18  }
0x4a: {  	v18 =	vld.idx.msk [tilespmem:v19+s1+$0x0], $0xffff  }
0x4b: {  	v19 =	vor.u32 v6, v17;
	_ =	sdelay $0x3  }
0x4c: {  	[tilespmem:s13+$0x10050] =	vst v18  }
0x4d: {  	v18 =	vld.idx.msk [tilespmem:v19+s1+$0x0], $0xffff  }
0x4e: {  	v19 =	vor.u32 v7, v17;
	_ =	sdelay $0x3  }
0x4f: {  	[tilespmem:s13+$0x10060] =	vst v18  }
0x50: {  	v18 =	vld.idx.msk [tilespmem:v19+s1+$0x0], $0xffff  }
0x51: {  	v19 =	vor.u32 v8, v17;
	_ =	sdelay $0x3  }
0x52: {  	[tilespmem:s13+$0x10070] =	vst v18  }
0x53: {  	v18 =	vld.idx.msk [tilespmem:v19+s1+$0x0], $0xffff  }
0x54: {  	v19 =	vor.u32 v9, v17;
	_ =	sdelay $0x3  }
0x55: {  	[tilespmem:s13+$0x10400] =	vst v18  }
0x56: {  	v18 =	vld.idx.msk [tilespmem:v19+s1+$0x0], $0xffff  }
0x57: {  	v19 =	vor.u32 v10, v17;
	_ =	sdelay $0x3  }
0x58: {  	[tilespmem:s13+$0x10410] =	vst v18  }
0x59: {  	v18 =	vld.idx.msk [tilespmem:v19+s1+$0x0], $0xffff  }
0x5a: {  	v19 =	vor.u32 v11, v17;
	_ =	sdelay $0x3  }
0x5b: {  	[tilespmem:s13+$0x10420] =	vst v18  }
0x5c: {  	v17 =	vadd.s32 v13, v17;
	v18 =	vld.idx.msk [tilespmem:v19+s1+$0x0], $0xffff  }
0x5d: {  	v17 =	vadd.s32 v12, v17;
	_ =	sdelay $0x1  }
0x5e: {  	s31 =	simm.s32 $0x1  }
0x5f: {  	p0 =	por p1, p1;
	s14 =	simm.s32 $0x2;
	v20 =	vshll.u32 v16, $0xB;
	s12 =	simm.s32 $0x0;
	v19 =	vmov s31  }
.LBB2_3:
0x60: {  	p1 =	sne.s32 s14, $0x3F;
	v16 =	vshrl.u32 v19, $0x3;
	v19 =	vshll.u32 v19, $0x7;
	[tilespmem:s13+$0x10430] =	vst v18;
	v18 =	vor.u32 v15, v20  }
0x61: {  	v20 =	vshll.u32 v16, $0xD;
	v15 =	vand.u32 $0x380, v19;
	v17 =	vld.idx.msk [tilespmem:v17+s1+$0x0], $0xff;
	v18 =	vor.u32 v14, v18  }
0x62: {  	v19 =	vor.u32 v15, v20;
	v18 =	vor.u32 $0x400, v18  }
0x63: {  	v20 =	vor.u32 v0, v19;
	_ =	sdelay $0x3  }
0x64: {  	[tilespmem:v18+s8+$0x0] =	vst.idx.msk $0xff, v17  }
0x65: {  	v17 =	vld.idx.msk [tilespmem:v20+s1+$0x0], $0xffff;
	_ =	sdelay $0x1  }
0x66: {  	v18 =	vor.u32 v1, v19  }
0x67: {  	s11 =	sadd.s32 $0x80, s11;
	s12 =	sadd.s32 $0x100, s12  }
0x68: {  	s13 =	sand.u32 $0x3800, s12;
	s15 =	sand.u32 $0x380, s11  }
0x69: {  	s13 =	sor.u32 s15, s13  }
0x6a: {  	[tilespmem:s13+$0x10000] =	vst v17  }
0x6b: {  	v17 =	vld.idx.msk [tilespmem:v18+s1+$0x0], $0xffff;
	_ =	sdelay $0x1  }
0x6c: {  	v18 =	vor.u32 v2, v19;
	_ =	sdelay $0x3  }
0x6d: {  	[tilespmem:s13+$0x10010] =	vst v17  }
0x6e: {  	v17 =	vld.idx.msk [tilespmem:v18+s1+$0x0], $0xffff;
	_ =	sdelay $0x1  }
0x6f: {  	v18 =	vor.u32 v3, v19;
	_ =	sdelay $0x3  }
0x70: {  	[tilespmem:s13+$0x10020] =	vst v17  }
0x71: {  	v17 =	vld.idx.msk [tilespmem:v18+s1+$0x0], $0xffff;
	_ =	sdelay $0x1  }
0x72: {  	v18 =	vor.u32 v4, v19;
	_ =	sdelay $0x3  }
0x73: {  	[tilespmem:s13+$0x10030] =	vst v17  }
0x74: {  	v17 =	vld.idx.msk [tilespmem:v18+s1+$0x0], $0xffff;
	_ =	sdelay $0x1  }
0x75: {  	v18 =	vor.u32 v5, v19;
	_ =	sdelay $0x3  }
0x76: {  	[tilespmem:s13+$0x10040] =	vst v17  }
0x77: {  	v17 =	vld.idx.msk [tilespmem:v18+s1+$0x0], $0xffff;
	_ =	sdelay $0x1  }
0x78: {  	v18 =	vor.u32 v6, v19;
	_ =	sdelay $0x3  }
0x79: {  	[tilespmem:s13+$0x10050] =	vst v17  }
0x7a: {  	v17 =	vld.idx.msk [tilespmem:v18+s1+$0x0], $0xffff;
	_ =	sdelay $0x1  }
0x7b: {  	v18 =	vor.u32 v7, v19;
	_ =	sdelay $0x3  }
0x7c: {  	[tilespmem:s13+$0x10060] =	vst v17  }
0x7d: {  	v17 =	vld.idx.msk [tilespmem:v18+s1+$0x0], $0xffff;
	_ =	sdelay $0x1  }
0x7e: {  	v18 =	vor.u32 v8, v19;
	_ =	sdelay $0x3  }
0x7f: {  	[tilespmem:s13+$0x10070] =	vst v17  }
0x80: {  	v17 =	vld.idx.msk [tilespmem:v18+s1+$0x0], $0xffff;
	_ =	sdelay $0x1  }
0x81: {  	v18 =	vor.u32 v9, v19;
	_ =	sdelay $0x3  }
0x82: {  	[tilespmem:s13+$0x10400] =	vst v17  }
0x83: {  	v17 =	vld.idx.msk [tilespmem:v18+s1+$0x0], $0xffff;
	_ =	sdelay $0x1  }
0x84: {  	v18 =	vor.u32 v10, v19;
	_ =	sdelay $0x3  }
0x85: {  	[tilespmem:s13+$0x10410] =	vst v17  }
0x86: {  	v17 =	vld.idx.msk [tilespmem:v18+s1+$0x0], $0xffff;
	_ =	sdelay $0x1  }
0x87: {  	v18 =	vor.u32 v11, v19;
	_ =	sdelay $0x3  }
0x88: {  	[tilespmem:s13+$0x10420] =	vst v17  }
0x89: {  	v18 =	vld.idx.msk [tilespmem:v18+s1+$0x0], $0xffff  }
.Ltmp0:
0x8a: {  	v17 =	vadd.s32 v13, v19;
	(pc) =	sbr.rel @p1 .LBB2_3-.Ltmp0, $2  }
0x8b: {  	v17 =	vadd.s32 v12, v17;
	_ =	sdelay $0x2  }
0x8c: {  	v20 =	vshll.u32 v16, $0xB;
	v19 =	vmov s14;
	s14 =	sadd.s32 $0x1, s14  }
0x8d: {  	_ =	sdelay $0x1  }
0x8e: {  	v16 =	vshrl.u32 v19, $0x3;
	v48 =	vshll.u32 v19, $0x7;
	v15 =	vor.u32 v15, v20  }
0x8f: {  	[tilespmem:s13+$0x10430] =	vst v18;
	v49 =	vshll.u32 v16, $0xD;
	v19 =	vand.u32 $0x380, v48;
	v15 =	vor.u32 v14, v15  }
0x90: {  	v17 =	vld.idx.msk [tilespmem:v17+s1+$0x0], $0xff;
	v18 =	vor.u32 v19, v49;
	v15 =	vor.u32 $0x400, v15  }
0x91: {  	v50 =	vor.u32 v0, v18;
	_ =	sdelay $0x3  }
0x92: {  	[tilespmem:v15+s8+$0x0] =	vst.idx.msk $0xff, v17  }
0x93: {  	v15 =	vld.idx.msk [tilespmem:v50+s1+$0x0], $0xffff  }
0x94: {  	v51 =	vor.u32 v1, v18  }
0x95: {  	s11 =	sadd.s32 $0x80, s11;
	s12 =	sadd.s32 $0x100, s12  }
0x96: {  	s12 =	sand.u32 $0x3800, s12;
	s11 =	sand.u32 $0x380, s11  }
0x97: {  	s11 =	sor.u32 s11, s12  }
0x98: {  	[tilespmem:s11+$0x10000] =	vst v15  }
0x99: {  	v15 =	vld.idx.msk [tilespmem:v51+s1+$0x0], $0xffff  }
0x9a: {  	v52 =	vor.u32 v2, v18;
	_ =	sdelay $0x3  }
0x9b: {  	[tilespmem:s11+$0x10010] =	vst v15  }
0x9c: {  	v15 =	vld.idx.msk [tilespmem:v52+s1+$0x0], $0xffff  }
0x9d: {  	v53 =	vor.u32 v3, v18;
	_ =	sdelay $0x3  }
0x9e: {  	[tilespmem:s11+$0x10020] =	vst v15  }
0x9f: {  	v15 =	vld.idx.msk [tilespmem:v53+s1+$0x0], $0xffff  }
0xa0: {  	v54 =	vor.u32 v4, v18;
	_ =	sdelay $0x3  }
0xa1: {  	[tilespmem:s11+$0x10030] =	vst v15  }
0xa2: {  	v15 =	vld.idx.msk [tilespmem:v54+s1+$0x0], $0xffff  }
0xa3: {  	v55 =	vor.u32 v5, v18;
	_ =	sdelay $0x3  }
0xa4: {  	[tilespmem:s11+$0x10040] =	vst v15  }
0xa5: {  	v15 =	vld.idx.msk [tilespmem:v55+s1+$0x0], $0xffff  }
0xa6: {  	v56 =	vor.u32 v6, v18;
	_ =	sdelay $0x3  }
0xa7: {  	[tilespmem:s11+$0x10050] =	vst v15  }
0xa8: {  	v15 =	vld.idx.msk [tilespmem:v56+s1+$0x0], $0xffff  }
0xa9: {  	v57 =	vor.u32 v7, v18;
	_ =	sdelay $0x3  }
0xaa: {  	[tilespmem:s11+$0x10060] =	vst v15  }
0xab: {  	v15 =	vld.idx.msk [tilespmem:v57+s1+$0x0], $0xffff  }
0xac: {  	v58 =	vor.u32 v8, v18;
	_ =	sdelay $0x3  }
0xad: {  	[tilespmem:s11+$0x10070] =	vst v15  }
0xae: {  	v15 =	vld.idx.msk [tilespmem:v58+s1+$0x0], $0xffff  }
0xaf: {  	v59 =	vor.u32 v9, v18;
	_ =	sdelay $0x3  }
0xb0: {  	[tilespmem:s11+$0x10400] =	vst v15  }
0xb1: {  	v15 =	vld.idx.msk [tilespmem:v59+s1+$0x0], $0xffff  }
0xb2: {  	v60 =	vor.u32 v10, v18;
	_ =	sdelay $0x3  }
0xb3: {  	[tilespmem:s11+$0x10410] =	vst v15  }
0xb4: {  	v15 =	vld.idx.msk [tilespmem:v60+s1+$0x0], $0xffff  }
0xb5: {  	v61 =	vor.u32 v11, v18;
	_ =	sdelay $0x3  }
0xb6: {  	[tilespmem:s11+$0x10420] =	vst v15  }
0xb7: {  	v62 =	vadd.s32 v13, v18;
	v15 =	vld.idx.msk [tilespmem:v61+s1+$0x0], $0xffff  }
0xb8: {  	v17 =	vadd.s32 v12, v62;
	_ =	sdelay $0x1  }
0xb9: {  	v16 =	vshll.u32 v16, $0xB  }
0xba: {  	v16 =	vor.u32 v19, v16  }
0xbb: {  	[tilespmem:s11+$0x10430] =	vst v15;
	v15 =	vor.u32 v14, v16  }
0xbc: {  	v63 =	vld.idx.msk [tilespmem:v17+s1+$0x0], $0xff;
	v15 =	vor.u32 $0x400, v15;
	_ =	sdelay $0x3  }
0xbd: {  	s10 =	sshll.u32 s10, $0x5  }
.Ltmp1:
0xbe: {  	s10 =	sadd.s32 s4, s10;
	[tilespmem:v15+s8+$0x0] =	vst.idx.msk $0xff, v63;
	(pc) =	sbr.rel @p0 .LBB2_2-.Ltmp1, $4  }
0xbf: {  	[hbm4b:s10+s1] =	stream.linear.scatter [tilespmem:s8], [sflag:$0x1], $0x4000, $0x38;
	[tilespmem:$0x14000] =	vst v63  }
0xc0: {  	_ =	swait.ge [sflag:s7], $0x4000  }
0xc1: {  	[sflag:s7] =	ssyncset.done $0x0  }
0xc2: {  	p1 =	por $0x0, $0x0;
	s10 =	simm.s32 $0x40;
	[sflag:s7] =	ssyncadd.s32 $0xFFFFC000  }
0xc3: {  	s9 =	sadd.s32 $0x1, s9  }
0xc4: {  	p0 =	sne.s32 s9, s6  }
.Ltmp2:
0xc5: {  	_ = 	snop;
	(pc) =	sbr.rel @p0 .LBB2_1-.Ltmp2, $1  }
0xc6: {  	_ =	sdelay $0x3  }
0xc7: {  	_ =	sfence.sel $0x180000  }
0xc8: {  	[bflag:$0x0] =	sbarrier.arrive $0xFFFF  }
0xc9: {  	p0 =	sne.s32 s2, $0x0;
	_ =	strace $0x90000047  }
0xca: {  	s0 =	sadd.s32 @!p0 $0x100000, s0;
	[bflag:$0x2] =	sbarrier.arrive $0xFFFF  }
0xcb: {  	[sflag:s0] =	ssyncadd.tile.s32 @!p0 $0x1;
	_ =	shalt  }
.Lfunc_end2:
_tile_overlayer_lowered:
.L_overlay_start_2:
0xcc: {  	(tag) =	ssettag $0x2  }
0xcd: {  	s0 =	rddreg [dreg:$0x0];
	s2 =	stileid.u32  }
0xce: {  	s1 =	rddreg [dreg:$0x1];
	p0 =	sne.s32 s2, $0x0  }
0xcf: {  	s3 =	rddreg [dreg:$0x2];
	[bflag:$0x3] =	sbarrier.arrive $0xFFFF;
	s2 =	simm.s32 @!p0 $0x1C01  }
0xd0: {  	[timem:s3], [sflag:s2] =	dma.local @!p0 [hbm:s0], s1  }
0xd1: {  	s0 =	simm.s32 @!p0 $0x1  }
0xd2: {  	_ =	swait.ge @!p0 [sflag:s0], s1  }
0xd3: {  	s1 =	ssub.s32 @!p0 $0x0, s1;
	[sflag:s0] =	ssyncset.done @!p0 $0x0  }
0xd4: {  	[sflag:s0] =	ssyncadd.s32 @!p0 s1  }
0xd5: {  	[bflag:$0x3] =	sbarrier.arrive $0xFFFF  }
0xd6: {  	_ =	shalt  }

</sc_bundles>
